<compile_context>
chip_gen: v7x
topology: tpu7x:2x2x1
jax: 0.10.2.dev20260603
libtpu: 0.0.44.dev20260713+nightly
codegen_flags: <defaults>
</compile_context>

<pallas_src>
import functools

import numpy as np
import jax
import jax.numpy as jnp
from jax import lax
from jax.experimental import pallas as pl
from jax.experimental.pallas import tpu as pltpu
from jax.experimental.pallas import tpu_sc as plsc

_TIMESTEPS = 1000
_BETAS = np.linspace(0.0001, 0.02, _TIMESTEPS, dtype=np.float64)
_AC = np.cumprod(1.0 - _BETAS)
_SQRT_AC = np.sqrt(_AC).astype(np.float32)
_SQRT_OMAC = np.sqrt(1.0 - _AC).astype(np.float32)

_BATCH = 64
_LANES = 256
_ROWS_PER_BATCH = 3 * 256
_BATCHES_PER_BLOCK = 4
_BLOCK_ROWS = _ROWS_PER_BATCH * _BATCHES_PER_BLOCK


def _sc_gather_body(t_hbm, a_tab_hbm, b_tab_hbm, a_out_hbm, b_out_hbm,
                    idx_v, a_v, b_v, sem):
    wid = lax.axis_index("s") * 2 + lax.axis_index("c")

    @pl.when(wid == 0)
    def _():
        pltpu.sync_copy(t_hbm, idx_v)
        pltpu.async_copy(a_tab_hbm.at[idx_v], a_v, sem).wait()
        pltpu.async_copy(b_tab_hbm.at[idx_v], b_v, sem).wait()
        pltpu.sync_copy(a_v, a_out_hbm)
        pltpu.sync_copy(b_v, b_out_hbm)


def _sc_gather(t, a_tab, b_tab):
    mesh = plsc.VectorSubcoreMesh(core_axis_name="c", subcore_axis_name="s")
    fn = functools.partial(
        pl.kernel,
        out_type=(
            jax.ShapeDtypeStruct((_BATCH,), jnp.float32),
            jax.ShapeDtypeStruct((_BATCH,), jnp.float32),
        ),
        mesh=mesh,
        scratch_types=[
            pltpu.VMEM((_BATCH,), jnp.int32),
            pltpu.VMEM((_BATCH,), jnp.float32),
            pltpu.VMEM((_BATCH,), jnp.float32),
            pltpu.SemaphoreType.DMA,
        ],
    )(_sc_gather_body)
    return fn(t, a_tab, b_tab)


def _fma_body(a_ref, b_ref, x_ref, n_ref, o_ref):
    blk = pl.program_id(0)
    for j in range(_BATCHES_PER_BLOCK):
        bidx = blk * _BATCHES_PER_BLOCK + j
        a = a_ref[bidx]
        b = b_ref[bidx]
        sl = pl.ds(j * _ROWS_PER_BATCH, _ROWS_PER_BATCH)
        o_ref[sl, :] = a * x_ref[sl, :] + b * n_ref[sl, :]


def kernel(x_start, t, noise):
    batch = x_start.shape[0]
    rows = batch * _ROWS_PER_BATCH
    a_vec, b_vec = _sc_gather(
        t.astype(jnp.int32), jnp.asarray(_SQRT_AC), jnp.asarray(_SQRT_OMAC))
    x2 = jnp.transpose(x_start, (0, 3, 1, 2)).reshape(rows, _LANES)
    n2 = jnp.transpose(noise, (0, 3, 1, 2)).reshape(rows, _LANES)
    grid = (rows // _BLOCK_ROWS,)
    out = pl.pallas_call(
        _fma_body,
        grid=grid,
        in_specs=[
            pl.BlockSpec(memory_space=pltpu.SMEM),
            pl.BlockSpec(memory_space=pltpu.SMEM),
            pl.BlockSpec((_BLOCK_ROWS, _LANES), lambda i: (i, 0)),
            pl.BlockSpec((_BLOCK_ROWS, _LANES), lambda i: (i, 0)),
        ],
        out_specs=pl.BlockSpec((_BLOCK_ROWS, _LANES), lambda i: (i, 0)),
        out_shape=jax.ShapeDtypeStruct((rows, _LANES), jnp.float32),
    )(a_vec, b_vec, x2, n2)
    out = out.reshape(batch, 3, 256, 256)
    return jnp.transpose(out, (0, 2, 3, 1))

# --- scband reference (transcript-rebuilt; emitter-appended) ---
"""Pipeline reference for scband-gaussian-diffusion-37726992728748 (READ-ONLY COPY).

The authoritative reference and input builder live on the scoring server;
editing this copy changes nothing except your own understanding.
"""

import jax, jax.numpy as jnp
import numpy as np

TIMESTEPS = 1000
BETA_START = 0.0001
BETA_END = 0.02

def _tables():
    betas = np.linspace(BETA_START, BETA_END, TIMESTEPS, dtype=np.float64)
    alphas_cumprod = np.cumprod(1.0 - betas, axis=0)
    sqrt_alphas_cumprod = jnp.asarray(np.sqrt(alphas_cumprod), dtype=jnp.float32)
    sqrt_one_minus_alphas_cumprod = jnp.asarray(np.sqrt(1.0 - alphas_cumprod), dtype=jnp.float32)
    return sqrt_alphas_cumprod, sqrt_one_minus_alphas_cumprod

def setup_inputs(seed: int = 0) -> dict:
    key = jax.random.key(seed)
    k1, k2, k3 = jax.random.split(key, 3)
    x_start = jax.random.normal(k1, (64, 256, 256, 3), dtype=jnp.float32)
    noise = jax.random.normal(k2, (64, 256, 256, 3), dtype=jnp.float32)
    t = jax.random.randint(k3, (64,), 0, TIMESTEPS)
    return {"x_start": x_start, "t": t, "noise": noise}

def reference(x_start, t, noise):
    # q_sample: diffuse the data to timestep t.
    # _extract == gather coefficient table at t, reshape to [B,1,1,1]
    sqrt_ac, sqrt_omac = _tables()
    batch = x_start.shape[0]
    a = jnp.take(sqrt_ac, t).reshape(batch, 1, 1, 1)
    b = jnp.take(sqrt_omac, t).reshape(batch, 1, 1, 1)
    return a * x_start + b * noise

if __name__ == "__main__":
    import jax
    _d = setup_inputs()
    print(jax.jit(kernel)(*tuple(_d.values())))

</pallas_src>

<mosaic_0001>
#map = affine_map<(d0, d1) -> (0)>
module attributes {stable_mosaic.version = 14 : i64} {
  func.func @_sc_gather_body(%arg0: i32, %arg1: i32, %arg2: memref<64xi32, #tpu.memory_space<hbm>>, %arg3: memref<1000xf32, #tpu.memory_space<hbm>>, %arg4: memref<1000xf32, #tpu.memory_space<hbm>>, %arg5: memref<64xf32, #tpu.memory_space<hbm>>, %arg6: memref<64xf32, #tpu.memory_space<hbm>>, %arg7: memref<64xi32, #tpu.memory_space<vmem>>, %arg8: memref<64xf32, #tpu.memory_space<vmem>>, %arg9: memref<64xf32, #tpu.memory_space<vmem>>, %arg10: memref<!tpu.dma_semaphore, #tpu.memory_space<semaphore_mem>>) attributes {dimension_semantics = [#tpu.dimension_semantics<core_parallel>, #tpu.dimension_semantics<subcore_parallel>], iteration_bounds = array<i64: 2, 16>, scalar_prefetch = 0 : i64, scratch_operands = 4 : i64, tpu.core_type = #tpu.core_type<sc_vector_subcore>, window_params = [{transform_indices = #map}, {transform_indices = #map}, {transform_indices = #map}, {transform_indices = #map}, {transform_indices = #map}]} {
    %mul3A = arith.constant 2 : i32
    %mul3A_0 = arith.muli %arg1, %mul3A : i32
    %add3A = arith.addi %mul3A_0, %arg0 : i32
    %eq3A = arith.constant 0 : i32
    %eq3A_1 = arith.cmpi eq, %add3A, %eq3A : i32
    %convert_element_type3A = arith.extui %eq3A_1 : i1 to i32
    %cond3A = arith.constant 0 : i32
    %cond3A_2 = arith.cmpi ne, %convert_element_type3A, %cond3A : i32
    scf.if %cond3A_2 {
      "tpu.region"() ({
        %run_scoped3A = tpu.sem_alloc : memref<!tpu.dma_semaphore, #tpu.memory_space<semaphore_mem>>
        tpu.enqueue_dma source(%arg2 : memref<64xi32, #tpu.memory_space<hbm>>) target(%arg7 : memref<64xi32, #tpu.memory_space<vmem>>) target_semaphore(%run_scoped3A : memref<!tpu.dma_semaphore, #tpu.memory_space<semaphore_mem>>)
        tpu.wait_dma2 semaphore(%run_scoped3A : memref<!tpu.dma_semaphore, #tpu.memory_space<semaphore_mem>>) src(%arg2 : memref<64xi32, #tpu.memory_space<hbm>>) dst(%arg7 : memref<64xi32, #tpu.memory_space<vmem>>)
        tpu.yield
      }) : () -> ()
      %dma_start3A = arith.constant 0 : i32
      %dma_start3A_3 = tpu.memref_slice %arg3[%dma_start3A] : memref<1000xf32, #tpu.memory_space<hbm>> -> memref<1000xf32, #tpu.memory_space<hbm>>
      tpu.enqueue_indirect_dma source(%dma_start3A_3 : memref<1000xf32, #tpu.memory_space<hbm>>) target(%arg8 : memref<64xf32, #tpu.memory_space<vmem>>) offsets(%arg7 : memref<64xi32, #tpu.memory_space<vmem>>) semaphore(%arg10 : memref<!tpu.dma_semaphore, #tpu.memory_space<semaphore_mem>>)
      %dma_wait3A = arith.constant 0 : i32
      %dma_wait3A_4 = tpu.memref_slice %arg3[%dma_wait3A] : memref<1000xf32, #tpu.memory_space<hbm>> -> memref<1000xf32, #tpu.memory_space<hbm>>
      tpu.wait_indirect_dma semaphore(%arg10 : memref<!tpu.dma_semaphore, #tpu.memory_space<semaphore_mem>>) src(%dma_wait3A_4 : memref<1000xf32, #tpu.memory_space<hbm>>) dst(%arg8 : memref<64xf32, #tpu.memory_space<vmem>>)
      %dma_start3A_5 = arith.constant 0 : i32
      %dma_start3A_6 = tpu.memref_slice %arg4[%dma_start3A_5] : memref<1000xf32, #tpu.memory_space<hbm>> -> memref<1000xf32, #tpu.memory_space<hbm>>
      tpu.enqueue_indirect_dma source(%dma_start3A_6 : memref<1000xf32, #tpu.memory_space<hbm>>) target(%arg9 : memref<64xf32, #tpu.memory_space<vmem>>) offsets(%arg7 : memref<64xi32, #tpu.memory_space<vmem>>) semaphore(%arg10 : memref<!tpu.dma_semaphore, #tpu.memory_space<semaphore_mem>>)
      %dma_wait3A_7 = arith.constant 0 : i32
      %dma_wait3A_8 = tpu.memref_slice %arg4[%dma_wait3A_7] : memref<1000xf32, #tpu.memory_space<hbm>> -> memref<1000xf32, #tpu.memory_space<hbm>>
      tpu.wait_indirect_dma semaphore(%arg10 : memref<!tpu.dma_semaphore, #tpu.memory_space<semaphore_mem>>) src(%dma_wait3A_8 : memref<1000xf32, #tpu.memory_space<hbm>>) dst(%arg9 : memref<64xf32, #tpu.memory_space<vmem>>)
      "tpu.region"() ({
        %run_scoped3A = tpu.sem_alloc : memref<!tpu.dma_semaphore, #tpu.memory_space<semaphore_mem>>
        tpu.enqueue_dma source(%arg8 : memref<64xf32, #tpu.memory_space<vmem>>) target(%arg5 : memref<64xf32, #tpu.memory_space<hbm>>) target_semaphore(%run_scoped3A : memref<!tpu.dma_semaphore, #tpu.memory_space<semaphore_mem>>)
        tpu.wait_dma2 semaphore(%run_scoped3A : memref<!tpu.dma_semaphore, #tpu.memory_space<semaphore_mem>>) src(%arg8 : memref<64xf32, #tpu.memory_space<vmem>>) dst(%arg5 : memref<64xf32, #tpu.memory_space<hbm>>)
        tpu.yield
      }) : () -> ()
      "tpu.region"() ({
        %run_scoped3A = tpu.sem_alloc : memref<!tpu.dma_semaphore, #tpu.memory_space<semaphore_mem>>
        tpu.enqueue_dma source(%arg9 : memref<64xf32, #tpu.memory_space<vmem>>) target(%arg6 : memref<64xf32, #tpu.memory_space<hbm>>) target_semaphore(%run_scoped3A : memref<!tpu.dma_semaphore, #tpu.memory_space<semaphore_mem>>)
        tpu.wait_dma2 semaphore(%run_scoped3A : memref<!tpu.dma_semaphore, #tpu.memory_space<semaphore_mem>>) src(%arg9 : memref<64xf32, #tpu.memory_space<vmem>>) dst(%arg6 : memref<64xf32, #tpu.memory_space<hbm>>)
        tpu.yield
      }) : () -> ()
    } else {
    }
    return
  }
}

module attributes {stable_mosaic.version = 14 : i64} {
  func.func @_fma_body(%arg0: i32, %arg1: memref<64xf32, #tpu.memory_space<smem>>, %arg2: memref<64xf32, #tpu.memory_space<smem>>, %arg3: memref<3072x256xf32, #tpu.memory_space<vmem>>, %arg4: memref<3072x256xf32, #tpu.memory_space<vmem>>, %arg5: memref<3072x256xf32, #tpu.memory_space<vmem>>) attributes {dimension_semantics = [#tpu.dimension_semantics<arbitrary>], iteration_bounds = array<i64: 16>, scalar_prefetch = 0 : i64, scratch_operands = 0 : i64, tpu.core_type = #tpu.core_type<tc>, window_params = [{transform_indices = @transform_0, window_bounds = array<i64: 64>}, {transform_indices = @transform_1, window_bounds = array<i64: 64>}, {transform_indices = @transform_2, window_bounds = array<i64: 3072, 256>}, {transform_indices = @transform_3, window_bounds = array<i64: 3072, 256>}, {transform_indices = @transform_4, window_bounds = array<i64: 3072, 256>}]} {
    %mul3A = arith.constant 4 : i32
    %mul3A_0 = arith.muli %arg0, %mul3A : i32
    %add3A = arith.constant 0 : i32
    %add3A_1 = arith.addi %mul3A_0, %add3A : i32
    %get3A = arith.index_cast %add3A_1 : i32 to index
    %get3A_2 = memref.load %arg1[%get3A] : memref<64xf32, #tpu.memory_space<smem>>
    %get3A_3 = arith.index_cast %add3A_1 : i32 to index
    %get3A_4 = memref.load %arg2[%get3A_3] : memref<64xf32, #tpu.memory_space<smem>>
    %get3A_5 = arith.constant 0 : index
    %get3A_6 = arith.constant 0 : index
    %get3A_7 = vector.load %arg3[%get3A_5, %get3A_6] : memref<3072x256xf32, #tpu.memory_space<vmem>>, vector<768x256xf32>
    %mul3A_8 = vector.broadcast %get3A_2 : f32 to vector<768x256xf32>
    %mul3A_9 = arith.mulf %mul3A_8, %get3A_7 : vector<768x256xf32>
    %get3A_10 = arith.constant 0 : index
    %get3A_11 = arith.constant 0 : index
    %get3A_12 = vector.load %arg4[%get3A_10, %get3A_11] : memref<3072x256xf32, #tpu.memory_space<vmem>>, vector<768x256xf32>
    %mul3A_13 = vector.broadcast %get3A_4 : f32 to vector<768x256xf32>
    %mul3A_14 = arith.mulf %mul3A_13, %get3A_12 : vector<768x256xf32>
    %add3A_15 = arith.addf %mul3A_9, %mul3A_14 : vector<768x256xf32>
    %swap3A = arith.constant 0 : index
    %swap3A_16 = arith.constant 0 : index
    %swap3A_17 = vector.load %arg5[%swap3A, %swap3A_16] : memref<3072x256xf32, #tpu.memory_space<vmem>>, vector<768x256xf32>
    tpu.vector_store %arg5[%swap3A, %swap3A_16], %add3A_15 {strides = array<i32>} : memref<3072x256xf32, #tpu.memory_space<vmem>>, vector<768x256xf32>,
    %mul3A_18 = arith.constant 4 : i32
    %mul3A_19 = arith.muli %arg0, %mul3A_18 : i32
    %add3A_20 = arith.constant 1 : i32
    %add3A_21 = arith.addi %mul3A_19, %add3A_20 : i32
    %get3A_22 = arith.index_cast %add3A_21 : i32 to index
    %get3A_23 = memref.load %arg1[%get3A_22] : memref<64xf32, #tpu.memory_space<smem>>
    %get3A_24 = arith.index_cast %add3A_21 : i32 to index
    %get3A_25 = memref.load %arg2[%get3A_24] : memref<64xf32, #tpu.memory_space<smem>>
    %get3A_26 = arith.constant 768 : index
    %get3A_27 = arith.constant 0 : index
    %get3A_28 = vector.load %arg3[%get3A_26, %get3A_27] : memref<3072x256xf32, #tpu.memory_space<vmem>>, vector<768x256xf32>
    %mul3A_29 = vector.broadcast %get3A_23 : f32 to vector<768x256xf32>
    %mul3A_30 = arith.mulf %mul3A_29, %get3A_28 : vector<768x256xf32>
    %get3A_31 = arith.constant 768 : index
    %get3A_32 = arith.constant 0 : index
    %get3A_33 = vector.load %arg4[%get3A_31, %get3A_32] : memref<3072x256xf32, #tpu.memory_space<vmem>>, vector<768x256xf32>
    %mul3A_34 = vector.broadcast %get3A_25 : f32 to vector<768x256xf32>
    %mul3A_35 = arith.mulf %mul3A_34, %get3A_33 : vector<768x256xf32>
    %add3A_36 = arith.addf %mul3A_30, %mul3A_35 : vector<768x256xf32>
    %swap3A_37 = arith.constant 768 : index
    %swap3A_38 = arith.constant 0 : index
    %swap3A_39 = vector.load %arg5[%swap3A_37, %swap3A_38] : memref<3072x256xf32, #tpu.memory_space<vmem>>, vector<768x256xf32>
    tpu.vector_store %arg5[%swap3A_37, %swap3A_38], %add3A_36 {strides = array<i32>} : memref<3072x256xf32, #tpu.memory_space<vmem>>, vector<768x256xf32>,
    %mul3A_40 = arith.constant 4 : i32
    %mul3A_41 = arith.muli %arg0, %mul3A_40 : i32
    %add3A_42 = arith.constant 2 : i32
    %add3A_43 = arith.addi %mul3A_41, %add3A_42 : i32
    %get3A_44 = arith.index_cast %add3A_43 : i32 to index
    %get3A_45 = memref.load %arg1[%get3A_44] : memref<64xf32, #tpu.memory_space<smem>>
    %get3A_46 = arith.index_cast %add3A_43 : i32 to index
    %get3A_47 = memref.load %arg2[%get3A_46] : memref<64xf32, #tpu.memory_space<smem>>
    %get3A_48 = arith.constant 1536 : index
    %get3A_49 = arith.constant 0 : index
    %get3A_50 = vector.load %arg3[%get3A_48, %get3A_49] : memref<3072x256xf32, #tpu.memory_space<vmem>>, vector<768x256xf32>
    %mul3A_51 = vector.broadcast %get3A_45 : f32 to vector<768x256xf32>
    %mul3A_52 = arith.mulf %mul3A_51, %get3A_50 : vector<768x256xf32>
    %get3A_53 = arith.constant 1536 : index
    %get3A_54 = arith.constant 0 : index
    %get3A_55 = vector.load %arg4[%get3A_53, %get3A_54] : memref<3072x256xf32, #tpu.memory_space<vmem>>, vector<768x256xf32>
    %mul3A_56 = vector.broadcast %get3A_47 : f32 to vector<768x256xf32>
    %mul3A_57 = arith.mulf %mul3A_56, %get3A_55 : vector<768x256xf32>
    %add3A_58 = arith.addf %mul3A_52, %mul3A_57 : vector<768x256xf32>
    %swap3A_59 = arith.constant 1536 : index
    %swap3A_60 = arith.constant 0 : index
    %swap3A_61 = vector.load %arg5[%swap3A_59, %swap3A_60] : memref<3072x256xf32, #tpu.memory_space<vmem>>, vector<768x256xf32>
    tpu.vector_store %arg5[%swap3A_59, %swap3A_60], %add3A_58 {strides = array<i32>} : memref<3072x256xf32, #tpu.memory_space<vmem>>, vector<768x256xf32>,
    %mul3A_62 = arith.constant 4 : i32
    %mul3A_63 = arith.muli %arg0, %mul3A_62 : i32
    %add3A_64 = arith.constant 3 : i32
    %add3A_65 = arith.addi %mul3A_63, %add3A_64 : i32
    %get3A_66 = arith.index_cast %add3A_65 : i32 to index
    %get3A_67 = memref.load %arg1[%get3A_66] : memref<64xf32, #tpu.memory_space<smem>>
    %get3A_68 = arith.index_cast %add3A_65 : i32 to index
    %get3A_69 = memref.load %arg2[%get3A_68] : memref<64xf32, #tpu.memory_space<smem>>
    %get3A_70 = arith.constant 2304 : index
    %get3A_71 = arith.constant 0 : index
    %get3A_72 = vector.load %arg3[%get3A_70, %get3A_71] : memref<3072x256xf32, #tpu.memory_space<vmem>>, vector<768x256xf32>
    %mul3A_73 = vector.broadcast %get3A_67 : f32 to vector<768x256xf32>
    %mul3A_74 = arith.mulf %mul3A_73, %get3A_72 : vector<768x256xf32>
    %get3A_75 = arith.constant 2304 : index
    %get3A_76 = arith.constant 0 : index
    %get3A_77 = vector.load %arg4[%get3A_75, %get3A_76] : memref<3072x256xf32, #tpu.memory_space<vmem>>, vector<768x256xf32>
    %mul3A_78 = vector.broadcast %get3A_69 : f32 to vector<768x256xf32>
    %mul3A_79 = arith.mulf %mul3A_78, %get3A_77 : vector<768x256xf32>
    %add3A_80 = arith.addf %mul3A_74, %mul3A_79 : vector<768x256xf32>
    %swap3A_81 = arith.constant 2304 : index
    %swap3A_82 = arith.constant 0 : index
    %swap3A_83 = vector.load %arg5[%swap3A_81, %swap3A_82] : memref<3072x256xf32, #tpu.memory_space<vmem>>, vector<768x256xf32>
    tpu.vector_store %arg5[%swap3A_81, %swap3A_82], %add3A_80 {strides = array<i32>} : memref<3072x256xf32, #tpu.memory_space<vmem>>, vector<768x256xf32>,
    return
  }
  func.func @transform_0(%arg0: i32) -> i32 {
    %c0_i32 = arith.constant 0 : i32
    %c0_i32_0 = arith.constant 0 : i32
    return %c0_i32 : i32
  }
  func.func @transform_1(%arg0: i32) -> i32 {
    %c0_i32 = arith.constant 0 : i32
    %c0_i32_0 = arith.constant 0 : i32
    return %c0_i32 : i32
  }
  func.func @transform_2(%arg0: i32) -> (i32, i32) {
    %c0_i32 = arith.constant 0 : i32
    %c0_i32_0 = arith.constant 0 : i32
    return %arg0, %c0_i32 : i32, i32
  }
  func.func @transform_3(%arg0: i32) -> (i32, i32) {
    %c0_i32 = arith.constant 0 : i32
    %c0_i32_0 = arith.constant 0 : i32
    return %arg0, %c0_i32 : i32, i32
  }
  func.func @transform_4(%arg0: i32) -> (i32, i32) {
    %c0_i32 = arith.constant 0 : i32
    %c0_i32_0 = arith.constant 0 : i32
    return %arg0, %c0_i32 : i32, i32
  }
}

</mosaic_0001>

<sc_bundles>
// kernel: kernel.4.cloned.1.call-start
scs
__scs_entry_jumppad:
0x0: {  	(pc) =	sbr.rel $0x88, $3  }
0x1: {  	(tag) =	ssettag $0x0;
	lr =	simm.s32 $0x1  }
0x2: {  	[smem:$0x3F9E] =	sst lr;
	_ =	strace $0xD0000000  }
0x3: {  	_ = 	snop  }
0x4: {  	_ = 	snop  }
0x5: {  	_ = 	snop  }
0x6: {  	_ = 	snop  }
0x7: {  	_ = 	snop  }
__scs_overlays_trampoline_lowered:
0x8: {  	[smem:$0x3FAD] =	sst s0  }
0x9: {  	[smem:$0x3FAE] =	sst s1  }
0xa: {  	[smem:$0x3FAF] =	sst s2  }
0xb: {  	[smem:$0x3FB0] =	sst s3  }
0xc: {  	[smem:$0x3FB1] =	sst s4  }
0xd: {  	[smem:$0x3FB2] =	sst s5  }
0xe: {  	[smem:$0x3FB3] =	sst s6  }
0xf: {  	[smem:$0x3FB4] =	sst s7  }
0x10: {  	[smem:$0x3FB5] =	sst s8  }
0x11: {  	[smem:$0x3FB6] =	sst s9;
	s0 =	simm.s32 @!p0 $0x0  }
0x12: {  	s1 =	sld [smem:$0x3F9C];
	s0 =	simm.s32 @p0 $0x1  }
0x13: {  	[smem:$0x3FB7] =	sst s0;
	s0 =	simm.s32 @!p1 $0x0  }
0x14: {  	s2 =	sld [smem:$0x3F9B];
	s0 =	simm.s32 @p1 $0x1  }
0x15: {  	[smem:$0x3FB8] =	sst s0;
	s0 =	simm.s32 @!p2 $0x0  }
0x16: {  	s3 =	sld [smem:$0x3FDB];
	s0 =	simm.s32 @p2 $0x1  }
0x17: {  	s4 =	simm.s32 $0x1BF5;
	[smem:$0x3FBA] =	sst s0  }
0x18: {  	s0 =	sld [smem:$0x3F9D];
	_ =	swait.ge [sflag:s4], $0x0  }
0x19: {  	s7 =	sld [smem:$0x3F9E]  }
0x1a: {  	s8 =	sadd.s32 $0xFFFFE003, lr  }
0x1b: {  	s9 =	sadd.s32 $0xFFFFFEF7, lr;
	s5 =	simm.s32 $0xFFFFFFFF;
	p2 =	slt.u32 s8, $0xFFFFF086  }
0x1c: {  	p1 =	slt.u32 s9, $0xF7A;
	s5 =	simm.s32 @!p2 $0x0  }
0x1d: {  	s5 =	simm.s32 @p1 $0x1;
	p0 =	seq.s32 s7, s2  }
0x1e: {  	s7 =	smul.u32 @!p0 $0xF7A, s2;
	p2 =	seq.s32 @!p0 s5, $0x0  }
0x1f: {  	s9 =	smul.u32 $0xF7A, s1;
	s8 =	simm.s32 @!p0 $0x1BF5;
	p2 =	por !p2, p0  }
0x20: {  	[sflag:s8] =	ssyncset.s32 @!p0 $0xFFFFF086;
	s6 =	sadd.s32 @!p0 s3, s7;
	s7 =	simm.s32 @!p0 $0x108  }
0x21: {  	s3 =	sadd.s32 s3, s9;
	s6 =	sadd.s32 @!p0 $0x88, s6;
	s7 =	simm.s32 @p2 $0x1082  }
0x22: {  	[simem:s7], [sflag:s8] =	dma.local @!p0 [hbm:s6], $0xF7A  }
0x23: {  	s9 =	sor.u32 $0xD0000000, s2;
	s6 =	simm.s32 $0x108;
	_ =	swait.ge @!p0 [sflag:s8], $0x0  }
0x24: {  	s3 =	sadd.s32 $0x88, s3;
	s6 =	simm.s32 @!p1 $0x1082;
	[sflag:s4] =	ssyncset.s32 $0xFFFFF086  }
0x25: {  	[simem:s6], [sflag:s4] =	dma.local [hbm:s3], $0xF7A  }
0x26: {  	[smem:$0x3F9E] =	sst s1;
	(tag) =	ssettag s2;
	_ =	strace s9  }
0x27: {  	s1 =	sld [smem:$0x3FAE]  }
0x28: {  	s2 =	sld [smem:$0x3FAF]  }
0x29: {  	s4 =	sld [smem:$0x3FB1]  }
0x2a: {  	p0 =	seq.s32 s5, $0x0;
	s5 =	sld [smem:$0x3FB2]  }
0x2b: {  	s6 =	sld [smem:$0x3FB3]  }
0x2c: {  	s7 =	sld [smem:$0x3FB4]  }
0x2d: {  	s3 =	simm.s32 $0x108;
	s8 =	sld [smem:$0x3FB5]  }
0x2e: {  	s3 =	simm.s32 @!p0 $0x1082;
	s9 =	sld [smem:$0x3FB6]  }
0x2f: {  	lr =	sadd.s32 s0, s3;
	s0 =	sld [smem:$0x3FAD]  }
0x30: {  	s3 =	sld [smem:$0x3FB0]  }
0x31: {  	[smem:$0x3FB9] =	sst s10  }
0x32: {  	s10 =	sld [smem:$0x3FB7];
	_ =	sdelay $0x3  }
0x33: {  	p0 =	seq.s32 s10, $0x1;
	s10 =	sld [smem:$0x3FB9];
	_ =	sdelay $0x3  }
0x34: {  	[smem:$0x3FB9] =	sst s10  }
0x35: {  	s10 =	sld [smem:$0x3FB8];
	_ =	sdelay $0x3  }
0x36: {  	p1 =	seq.s32 s10, $0x1;
	s10 =	sld [smem:$0x3FB9];
	_ =	sdelay $0x3  }
0x37: {  	[smem:$0x3FB9] =	sst s10  }
0x38: {  	s10 =	sld [smem:$0x3FBA]  }
0x39: {  	_ = 	snop;
	(pc) =	sbr.ind lr, $3  }
0x3a: {  	_ = 	snop  }
0x3b: {  	_ = 	snop  }
0x3c: {  	p2 =	seq.s32 s10, $0x1;
	s10 =	sld [smem:$0x3FB9]  }
0x3d: {  	_ =	shalt  }
0x3e: {  	_ =	shalt  }
0x3f: {  	_ =	shalt  }
0x40: {  	_ =	shalt  }
0x41: {  	_ =	shalt  }
0x42: {  	_ =	shalt  }
0x43: {  	_ =	shalt  }
0x44: {  	_ =	shalt  }
0x45: {  	_ =	shalt  }
0x46: {  	_ =	shalt  }
0x47: {  	_ =	shalt  }
0x48: {  	_ =	shalt  }
0x49: {  	_ =	shalt  }
0x4a: {  	_ =	shalt  }
0x4b: {  	_ =	shalt  }
0x4c: {  	_ =	shalt  }
0x4d: {  	_ =	shalt  }
0x4e: {  	_ =	shalt  }
0x4f: {  	_ =	shalt  }
0x50: {  	_ =	shalt  }
0x51: {  	_ =	shalt  }
0x52: {  	_ =	shalt  }
0x53: {  	_ =	shalt  }
0x54: {  	_ =	shalt  }
0x55: {  	_ =	shalt  }
0x56: {  	_ =	shalt  }
0x57: {  	_ =	shalt  }
0x58: {  	_ =	shalt  }
0x59: {  	_ =	shalt  }
0x5a: {  	_ =	shalt  }
0x5b: {  	_ =	shalt  }
0x5c: {  	_ =	shalt  }
0x5d: {  	_ =	shalt  }
0x5e: {  	_ =	shalt  }
0x5f: {  	_ =	shalt  }
0x60: {  	_ =	shalt  }
0x61: {  	_ =	shalt  }
0x62: {  	_ =	shalt  }
0x63: {  	_ =	shalt  }
0x64: {  	_ =	shalt  }
0x65: {  	_ =	shalt  }
0x66: {  	_ =	shalt  }
0x67: {  	_ =	shalt  }
0x68: {  	_ =	shalt  }
0x69: {  	_ =	shalt  }
0x6a: {  	_ =	shalt  }
0x6b: {  	_ =	shalt  }
0x6c: {  	_ =	shalt  }
0x6d: {  	_ =	shalt  }
0x6e: {  	_ =	shalt  }
0x6f: {  	_ =	shalt  }
0x70: {  	_ =	shalt  }
0x71: {  	_ =	shalt  }
0x72: {  	_ =	shalt  }
0x73: {  	_ =	shalt  }
0x74: {  	_ =	shalt  }
0x75: {  	_ =	shalt  }
0x76: {  	_ =	shalt  }
0x77: {  	_ =	shalt  }
0x78: {  	_ =	shalt  }
0x79: {  	_ =	shalt  }
0x7a: {  	_ =	shalt  }
0x7b: {  	_ =	shalt  }
0x7c: {  	_ =	shalt  }
0x7d: {  	_ =	shalt  }
0x7e: {  	_ =	shalt  }
0x7f: {  	_ =	shalt  }
0x80: {  	_ =	shalt  }
0x81: {  	_ =	shalt  }
0x82: {  	_ =	shalt  }
0x83: {  	_ =	shalt  }
0x84: {  	_ =	shalt  }
0x85: {  	_ =	shalt  }
0x86: {  	_ =	shalt  }
0x87: {  	_ =	shalt  }
.Lfunc_end0:
.L_simem_size_0:
called_computation_lowered:
.L_overlay_start_0:
0x88: {  	s2 =	sld [smem:$0x3FD9]  }
0x89: {  	s3 =	sld [smem:$0x3FFE];
	_ =	sdelay $0x1  }
0x8a: {  	s1 =	srdreg.scid  }
0x8b: {  	s0 =	sand.u32 $0x1, s1  }
0x8c: {  	s17 =	sshll.u32 s0, $0xA;
	s2 =	sadd.s32 s3, s2  }
0x8d: {  	s2 =	sadd.s32 s2, s17  }
0x8e: {  	[smem:$0x3FC5] =	sst s2  }
0x8f: {  	_ = 	snop  }
0x90: {  	s2 =	sld [smem:$0x3FC8]  }
0x91: {  	s18 =	sld [smem:$0x3FD0];
	(tm) =	ssettm $0x1  }
0x92: {  	s4 =	sld [smem:$0x3FFB];
	_ =	sdelay $0x3  }
0x93: {  	_ =	strace s4  }
0x94: {  	s4 =	sld [smem:$0x3FFC];
	_ =	sdelay $0x3  }
0x95: {  	_ =	strace s4  }
0x96: {  	s4 =	sld [smem:$0x3FFD];
	_ =	sdelay $0x3  }
0x97: {  	_ =	strace s4  }
0x98: {  	_ =	strace $0x8FFFFFFF  }
0x99: {  	s19 =	sld [smem:$0x3FDB];
	_ =	sdelay $0x1  }
0x9a: {  	s5 =	simm.s32 $_scs_section_size  }
0x9b: {  	s6 =	simm.s32 $_size__tile_overlayer_lowered;
	s7 =	simm.s32 $_tile_overlayer_lowered  }
0x9c: {  	s22 =	simm.s32 $0x1BFF;
	s21 =	sshll.u32 s7, $0x1;
	s4 =	sadd.s32 s5, s19  }
0x9d: {  	s8 =	simm.s32 $0x0;
	s20 =	sshll.u32 s6, $0x1;
	s6 =	sadd.s32 s21, s4  }
0x9e: {  	[timem:s8], [sflag:s22] =	dma.local [hbm:s6], s20  }
0x9f: {  	_ =	swait.ge [sflag:s22], s20  }
0xa0: {  	s5 =	ssub.s32 $0x0, s20;
	[sflag:s22] =	ssyncset.done $0x0  }
0xa1: {  	[sflag:s22] =	ssyncadd.s32 s5;
	_ =	sdelay $0x1  }
0xa2: {  	s23 =	simm.s32 $0x1B8B  }
0xa3: {  	_ =	swait.ge [sflag:s23], $0x1  }
0xa4: {  	[sflag:s23] =	ssyncset.done $0x0  }
0xa5: {  	s25 =	simm.s32 $0x1B8E;
	s24 =	sld [smem:$0x3FFE];
	[sflag:s23] =	ssyncadd.s32 $0xFFFFFFFF  }
0xa6: {  	s26 =	simm.s32 $execute0_lowered;
	[smem:$0x3FD2] =	sst s25  }
0xa7: {  	s6 =	sshll.u32 s26, $0x1;
	_ =	strace $0x80000046;
	[dreg:$0x1] =	wrdreg $0xFFFFFFFF  }
0xa8: {  	s28 =	simm.s32 $_size_execute0_lowered;
	s4 =	sadd.s32 s4, s6;
	[dreg:$0x0] =	wrdreg $0x0  }
0xa9: {  	s6 =	sshll.u32 s28, $0x1;
	[dreg:$0x2] =	wrdreg s4  }
0xaa: {  	[dreg:$0x3] =	wrdreg s6  }
0xab: {  	[dreg:$0x4] =	wrdreg $0xC0  }
0xac: {  	_ =	task [dreg:s8], $0x5FFFF  }
0xad: {  	[dreg:$0x1] =	wrdreg $0xFFFFFFFF  }
0xae: {  	[dreg:$0x0] =	wrdreg $0x60  }
0xaf: {  	[dreg:$0x2] =	wrdreg s2  }
0xb0: {  	[dreg:$0x3] =	wrdreg s18  }
0xb1: {  	[dreg:$0x4] =	wrdreg s24  }
0xb2: {  	[dreg:$0x5] =	wrdreg $0x9  }
0xb3: {  	_ =	task.clear_ibuf [dreg:s8], $0x6FFFF;
	_ =	strace $0x90000046  }
0xb4: {  	s29 =	simm.s32 $0x9;
	_ =	strace $0x80000048  }
0xb5: {  	_ =	swait.ge [sflag:s29], $0x1  }
0xb6: {  	[sflag:s29] =	ssyncadd.s32 $0xFFFFFFFF  }
0xb7: {  	_ =	strace $0x90000048  }
0xb8: {  	_ =	sfence  }
0xb9: {  	s30 =	sld [smem:$0x0];
	_ =	sdelay $0x2  }
0xba: {  	s31 =	sshll.u32 s1, $0xD;
	s1 =	sshrl.u32 s1, $0x2  }
0xbb: {  	s3 =	sand.u32 $0x4000, s31;
	s1 =	sadd.s32 s1, s30  }
0xbc: {  	s0 =	sor.u32 s3, s0;
	s1 =	sshll.u32 s1, $0x11  }
0xbd: {  	s0 =	sor.u32 s1, s0  }
0xbe: {  	s0 =	sadd.s32 $0x8F2B, s0  }
0xbf: {  	[sflag:s0] =	ssyncadd.remote.s32 $0x1  }
0xc0: {  	_ =	sfence.sel $0xFFFF  }
0xc1: {  	[dreg:$0x0] =	wrdreg $0xFFFFFFFF;
	(pc) =	sbr.abs _section_cstart, $3  }
0xc2: {  	[dreg:$0x1] =	wrdreg $0xFFFFFFFF  }
0xc3: {  	_ =	task.clear_ibuf [dreg:s8], $0x2FFFF;
	_ =	strace $0x9FFFFFFF  }
0xc4: {  	(tm) =	ssettm $0x7FFFFFFF  }
0xc5: {  	_ =	shalt  }
tec
execute0_lowered:
.L_overlay_start_1:
0x0: {  	(tag) =	ssettag $0x1  }
0x1: {  	s0 =	srdreg.scid  }
0x2: {  	s13 =	sand.u32 $0x1, s0;
	s0 =	stileid.u32  }
0x3: {  	s4 =	sshll.u32 s0, $0x1;
	s5 =	ssub.s32 $0x0, s13  }
0x4: {  	p0 =	sne.s32 s4, s5  }
.Ltmp0:
0x5: {  	_ = 	snop;
	(pc) =	sbr.rel @p0 .LBB2_4-.Ltmp0, $4  }
0x6: {  	s2 =	rddreg [dreg:$0x0]  }
0x7: {  	s3 =	rddreg [dreg:$0x1]  }
0x8: {  	s12 =	rddreg [dreg:$0x2]  }
0x9: {  	s1 =	rddreg [dreg:$0x3];
	_ =	strace $0x80000047  }
0xa: {  	s5 =	simm.s32 $0x0;
	s4 =	simm.s32 $0x2  }
0xb: {  	[tilespmem:s5], [sflag:$0x2] =	stream.linear.gather [hbm4b:s2+s5], $0x80, $0x38;
	[tilespmem:$0x180] =	vst v63  }
0xc: {  	_ =	swait.ge [sflag:s4], $0x80  }
0xd: {  	s6 =	simm.s32 $0x40;
	[sflag:s4] =	ssyncset.done $0x0  }
0xe: {  	s7 =	simm.s32 $0x80;
	s8 =	simm.s32 $0x1;
	[sflag:s4] =	ssyncadd.s32 $0xFFFFFF80  }
0xf: {  	[tilespmem:s7], [sflag:$0x1] =	stream.indirect.gather [hbm4b:s3+s6], $0x1, s5, s6, $0xb8;
	[tilespmem:$0x180] =	vst v63  }
0x10: {  	_ =	swait.ge [sflag:s8], $0x40  }
0x11: {  	s9 =	sadd.s32 $0xC00, s12;
	[sflag:s8] =	ssyncset.done $0x0  }
0x12: {  	s10 =	simm.s32 $0x100;
	s13 =	ssub.s32 $0x2, s13;
	[sflag:s8] =	ssyncadd.s32 $0xFFFFFFC0  }
0x13: {  	[tilespmem:s10], [sflag:$0x1] =	stream.indirect.gather [hbm4b:s9+s6], $0x1, s5, s6, $0xb8;
	[tilespmem:$0x180] =	vst v63  }
0x14: {  	s14 =	sshrl.u32 s13, $0x1;
	_ =	swait.ge [sflag:s8], $0x40  }
0x15: {  	s13 =	ssub.s32 s13, s14;
	[sflag:s8] =	ssyncset.done $0x0  }
0x16: {  	s11 =	sadd.s32 $0xE00, s12;
	s13 =	smax.u32 s13, $0x1;
	[sflag:s8] =	ssyncadd.s32 $0xFFFFFFC0  }
0x17: {  	[hbm4b:s11+s5] =	stream.linear.scatter [tilespmem:s7], [sflag:$0x2], $0x80, $0x38;
	[tilespmem:$0x180] =	vst v63  }
0x18: {  	p0 =	sne.s32 s13, $0x1;
	_ =	swait.ge [sflag:s4], $0x80  }
.Ltmp1:
0x19: {  	[sflag:s4] =	ssyncset.done $0x0;
	(pc) =	sbr.rel @!p0 .LBB2_3-.Ltmp1, $4  }
0x1a: {  	s12 =	sadd.s32 $0x1000, s12;
	[sflag:s4] =	ssyncadd.s32 $0xFFFFFF80  }
0x1b: {  	[hbm4b:s12+s5] =	stream.linear.scatter [tilespmem:s10], [sflag:$0x2], $0x80, $0x38;
	[tilespmem:$0x180] =	vst v63  }
0x1c: {  	_ =	swait.ge [sflag:s4], $0x80  }
0x1d: {  	s13 =	sadd.s32 $0xFFFFFFFF, s13;
	[sflag:s4] =	ssyncset.done $0x0  }
.LBB2_2:
0x1e: {  	p0 =	sne.s32 s13, $0x1;
	s13 =	sadd.s32 $0xFFFFFFFF, s13;
	[sflag:s4] =	ssyncadd.s32 $0xFFFFFF80  }
0x1f: {  	[tilespmem:s5], [sflag:$0x2] =	stream.linear.gather [hbm4b:s2+s5], $0x80, $0x38;
	[tilespmem:$0x180] =	vst v63  }
0x20: {  	_ =	swait.ge [sflag:s4], $0x80  }
0x21: {  	[sflag:s4] =	ssyncset.done $0x0  }
0x22: {  	[sflag:s4] =	ssyncadd.s32 $0xFFFFFF80  }
0x23: {  	[tilespmem:s7], [sflag:$0x1] =	stream.indirect.gather [hbm4b:s3+s6], $0x1, s5, s6, $0xb8;
	[tilespmem:$0x180] =	vst v63  }
0x24: {  	_ =	swait.ge [sflag:s8], $0x40  }
0x25: {  	[sflag:s8] =	ssyncset.done $0x0  }
0x26: {  	[sflag:s8] =	ssyncadd.s32 $0xFFFFFFC0  }
0x27: {  	[tilespmem:s10], [sflag:$0x1] =	stream.indirect.gather [hbm4b:s9+s6], $0x1, s5, s6, $0xb8;
	[tilespmem:$0x180] =	vst v63  }
0x28: {  	_ =	swait.ge [sflag:s8], $0x40  }
0x29: {  	[sflag:s8] =	ssyncset.done $0x0  }
0x2a: {  	[sflag:s8] =	ssyncadd.s32 $0xFFFFFFC0  }
0x2b: {  	[hbm4b:s11+s5] =	stream.linear.scatter [tilespmem:s7], [sflag:$0x2], $0x80, $0x38;
	[tilespmem:$0x180] =	vst v63  }
0x2c: {  	_ =	swait.ge [sflag:s4], $0x80  }
.Ltmp2:
0x2d: {  	[sflag:s4] =	ssyncset.done $0x0;
	(pc) =	sbr.rel @p0 .LBB2_2-.Ltmp2, $4  }
0x2e: {  	[sflag:s4] =	ssyncadd.s32 $0xFFFFFF80  }
0x2f: {  	[hbm4b:s12+s5] =	stream.linear.scatter [tilespmem:s10], [sflag:$0x2], $0x80, $0x38;
	[tilespmem:$0x180] =	vst v63  }
0x30: {  	_ =	swait.ge [sflag:s4], $0x80  }
0x31: {  	[sflag:s4] =	ssyncset.done $0x0  }
.LBB2_3:
0x32: {  	[sflag:s4] =	ssyncadd.s32 $0xFFFFFF80  }
.LBB2_4:
0x33: {  	_ =	sfence.sel $0x180000  }
0x34: {  	[bflag:$0x0] =	sbarrier.arrive $0xFFFF  }
0x35: {  	p0 =	sne.s32 s0, $0x0;
	_ =	strace $0x90000047  }
0x36: {  	s0 =	sadd.s32 @!p0 $0x100000, s1;
	[bflag:$0x2] =	sbarrier.arrive $0xFFFF  }
0x37: {  	[sflag:s0] =	ssyncadd.tile.s32 @!p0 $0x1;
	_ =	shalt  }
.Lfunc_end2:
_tile_overlayer_lowered:
.L_overlay_start_2:
0x38: {  	(tag) =	ssettag $0x2  }
0x39: {  	s0 =	rddreg [dreg:$0x0];
	s2 =	stileid.u32  }
0x3a: {  	s1 =	rddreg [dreg:$0x1];
	p0 =	sne.s32 s2, $0x0  }
0x3b: {  	s3 =	rddreg [dreg:$0x2];
	[bflag:$0x3] =	sbarrier.arrive $0xFFFF;
	s2 =	simm.s32 @!p0 $0x1C02  }
0x3c: {  	[timem:s3], [sflag:s2] =	dma.local @!p0 [hbm:s0], s1  }
0x3d: {  	s0 =	simm.s32 @!p0 $0x2  }
0x3e: {  	_ =	swait.ge @!p0 [sflag:s0], s1  }
0x3f: {  	s1 =	ssub.s32 @!p0 $0x0, s1;
	[sflag:s0] =	ssyncset.done @!p0 $0x0  }
0x40: {  	[sflag:s0] =	ssyncadd.s32 @!p0 s1  }
0x41: {  	[bflag:$0x3] =	sbarrier.arrive $0xFFFF  }
0x42: {  	_ =	shalt  }

</sc_bundles>
